<compile_context>
chip_gen: v7x
topology: tpu7x:2x2x1
jax: 0.10.2.dev20260603
libtpu: 0.0.44.dev20260713+nightly
codegen_flags: <defaults>
</compile_context>

<pallas_src>
import functools

import jax
import jax.numpy as jnp
from jax import lax
from jax.experimental import pallas as pl
from jax.experimental.pallas import tpu as pltpu
import jax.experimental.pallas.tpu_sc as plsc

_NC = 2
_NS = 16
_NW = _NC * _NS

_CH = 4
_NBUF = 3


def _sc_gather(table, idx3):
  nw, nch, ch = idx3.shape
  d = table.shape[1]
  b_total = nw * nch * ch
  mesh = plsc.VectorSubcoreMesh(core_axis_name="c", subcore_axis_name="s")

  @functools.partial(
      pl.kernel,
      out_type=jax.ShapeDtypeStruct((b_total, d), jnp.float32),
      mesh=mesh,
      scratch_types=[
          pltpu.VMEM((nch, ch), jnp.int32),
          *[pltpu.VMEM((ch, d), jnp.float32) for _ in range(_NBUF)],
          *[pltpu.SemaphoreType.DMA for _ in range(2 * _NBUF)],
      ],
  )
  def k(table_hbm, idx_hbm, out_hbm, idx_v, *rest):
    bufs = rest[:_NBUF]
    gsems = rest[_NBUF:2 * _NBUF]
    ssems = rest[2 * _NBUF:]
    wid = lax.axis_index("s") * _NC + lax.axis_index("c")
    base_row = wid * (nch * ch)

    pltpu.sync_copy(idx_hbm.at[wid], idx_v)

    def gather_start(b, g):
      pltpu.async_copy(table_hbm.at[idx_v.at[g]], bufs[b], gsems[b])

    def gather_wait(b):
      pltpu.make_async_copy(table_hbm.at[idx_v.at[0]], bufs[b],
                            gsems[b]).wait()

    def scatter_start(b, g):
      pltpu.async_copy(bufs[b], out_hbm.at[pl.ds(base_row + g * ch, ch)],
                       ssems[b])

    def scatter_wait(b):
      pltpu.make_async_copy(bufs[b], out_hbm.at[pl.ds(0, ch)],
                            ssems[b]).wait()

    def drain(b, g):
      gather_wait(b)
      scatter_start(b, g)
      scatter_wait(b)

    for b in range(_NBUF):
      gather_start(b, b)

    n_main = nch // _NBUF
    n_tail = nch - n_main * _NBUF

    @pl.loop(0, n_main)
    def _(o):
      for b in range(_NBUF):
        g = o * _NBUF + b
        drain(b, g)
        nxt = g + _NBUF

        @pl.when(nxt < nch)
        def _():
          gather_start(b, nxt)

    for b in range(n_tail):
      drain(b, n_main * _NBUF + b)

  return k(table, idx3)


def kernel(x, table):
  b, t = x.shape
  vocab = table.shape[0]
  idx = x.reshape(-1).astype(jnp.int32)
  b_total = idx.shape[0]
  r = b_total // _NW
  idx3 = idx.reshape(_NW, r // _CH, _CH)
  out = _sc_gather(table, idx3)
  return out.reshape(b, t, vocab)

# --- scband reference (transcript-rebuilt; emitter-appended) ---
"""Pipeline reference for scband-bigram-52312701665387 (READ-ONLY COPY).

The authoritative reference and input builder live on the scoring server;
editing this copy changes nothing except your own understanding.
"""

import jax, jax.numpy as jnp
import numpy as np

VOCAB = 8192
B, T = 4, 2048

def setup_inputs(seed: int = 0) -> dict:
    key = jax.random.key(seed)
    k1, k2 = jax.random.split(key)
    x = jax.random.randint(k1, (B, T), 0, VOCAB, dtype=jnp.int64)
    table = jax.random.normal(k2, (VOCAB, VOCAB), dtype=jnp.float32) * 0.02
    return {"x": x, "table": table}

def reference(x, table):
    # Bigram.forward with targets=None: logits = embedding(x); loss = None
    logits = jnp.take(table, x, axis=0)  # [B, T, VOCAB]
    return logits

if __name__ == "__main__":
    import jax
    _d = setup_inputs()
    print(jax.jit(kernel)(*tuple(_d.values())))

</pallas_src>

<mosaic_0001>
#map = affine_map<(d0, d1) -> (0, 0)>
#map1 = affine_map<(d0, d1) -> (0, 0, 0)>
module attributes {stable_mosaic.version = 14 : i64} {
  func.func @k(%arg0: i32, %arg1: i32, %arg2: memref<8192x8192xf32, #tpu.memory_space<hbm>>, %arg3: memref<32x64x4xi32, #tpu.memory_space<hbm>>, %arg4: memref<8192x8192xf32, #tpu.memory_space<hbm>>, %arg5: memref<64x4xi32, #tpu.memory_space<vmem>>, %arg6: memref<4x8192xf32, #tpu.memory_space<vmem>>, %arg7: memref<4x8192xf32, #tpu.memory_space<vmem>>, %arg8: memref<4x8192xf32, #tpu.memory_space<vmem>>, %arg9: memref<!tpu.dma_semaphore, #tpu.memory_space<semaphore_mem>>, %arg10: memref<!tpu.dma_semaphore, #tpu.memory_space<semaphore_mem>>, %arg11: memref<!tpu.dma_semaphore, #tpu.memory_space<semaphore_mem>>, %arg12: memref<!tpu.dma_semaphore, #tpu.memory_space<semaphore_mem>>, %arg13: memref<!tpu.dma_semaphore, #tpu.memory_space<semaphore_mem>>, %arg14: memref<!tpu.dma_semaphore, #tpu.memory_space<semaphore_mem>>) attributes {dimension_semantics = [#tpu.dimension_semantics<core_parallel>, #tpu.dimension_semantics<subcore_parallel>], iteration_bounds = array<i64: 2, 16>, scalar_prefetch = 0 : i64, scratch_operands = 10 : i64, tpu.core_type = #tpu.core_type<sc_vector_subcore>, window_params = [{transform_indices = #map}, {transform_indices = #map1}, {transform_indices = #map}]} {
    %mul3A = arith.constant 2 : i32
    %mul3A_0 = arith.muli %arg1, %mul3A : i32
    %add3A = arith.addi %mul3A_0, %arg0 : i32
    %mul3A_1 = arith.constant 256 : i32
    %mul3A_2 = arith.muli %add3A, %mul3A_1 : i32
    "tpu.region"() ({
      %run_scoped3A = tpu.sem_alloc : memref<!tpu.dma_semaphore, #tpu.memory_space<semaphore_mem>>
      %dma_start3A_45 = arith.constant 0 : i32
      %dma_start3A_46 = arith.constant 0 : i32
      %dma_start3A_47 = tpu.memref_slice %arg3[%add3A, %dma_start3A_45, %dma_start3A_46] : memref<32x64x4xi32, #tpu.memory_space<hbm>> -> memref<1x64x4xi32, #tpu.memory_space<hbm>>
      %dma_start3A_48 = tpu.memref_squeeze %dma_start3A_47 : memref<1x64x4xi32, #tpu.memory_space<hbm>> -> memref<64x4xi32, #tpu.memory_space<hbm>>
      %dma_start3A_49 = arith.constant 0 : i32
      %dma_start3A_50 = arith.constant 0 : i32
      %dma_start3A_51 = tpu.memref_slice %arg3[%add3A, %dma_start3A_49, %dma_start3A_50] : memref<32x64x4xi32, #tpu.memory_space<hbm>> -> memref<1x64x4xi32, #tpu.memory_space<hbm>>
      %dma_start3A_52 = tpu.memref_squeeze %dma_start3A_51 : memref<1x64x4xi32, #tpu.memory_space<hbm>> -> memref<64x4xi32, #tpu.memory_space<hbm>>
      tpu.enqueue_dma source(%dma_start3A_52 : memref<64x4xi32, #tpu.memory_space<hbm>>) target(%arg5 : memref<64x4xi32, #tpu.memory_space<vmem>>) target_semaphore(%run_scoped3A : memref<!tpu.dma_semaphore, #tpu.memory_space<semaphore_mem>>)
      %dma_wait3A_53 = arith.constant 0 : i32
      %dma_wait3A_54 = arith.constant 0 : i32
      %dma_wait3A_55 = tpu.memref_slice %arg3[%add3A, %dma_wait3A_53, %dma_wait3A_54] : memref<32x64x4xi32, #tpu.memory_space<hbm>> -> memref<1x64x4xi32, #tpu.memory_space<hbm>>
      %dma_wait3A_56 = tpu.memref_squeeze %dma_wait3A_55 : memref<1x64x4xi32, #tpu.memory_space<hbm>> -> memref<64x4xi32, #tpu.memory_space<hbm>>
      %dma_wait3A_57 = arith.constant 0 : i32
      %dma_wait3A_58 = arith.constant 0 : i32
      %dma_wait3A_59 = tpu.memref_slice %arg3[%add3A, %dma_wait3A_57, %dma_wait3A_58] : memref<32x64x4xi32, #tpu.memory_space<hbm>> -> memref<1x64x4xi32, #tpu.memory_space<hbm>>
      %dma_wait3A_60 = tpu.memref_squeeze %dma_wait3A_59 : memref<1x64x4xi32, #tpu.memory_space<hbm>> -> memref<64x4xi32, #tpu.memory_space<hbm>>
      tpu.wait_dma2 semaphore(%run_scoped3A : memref<!tpu.dma_semaphore, #tpu.memory_space<semaphore_mem>>) src(%dma_wait3A_60 : memref<64x4xi32, #tpu.memory_space<hbm>>) dst(%arg5 : memref<64x4xi32, #tpu.memory_space<vmem>>)
      tpu.yield
    }) : () -> ()
    %dma_start3A = arith.constant 0 : i32
    %dma_start3A_3 = arith.constant 0 : i32
    %dma_start3A_4 = tpu.memref_slice %arg5[%dma_start3A, %dma_start3A_3] : memref<64x4xi32, #tpu.memory_space<vmem>> -> memref<1x4xi32, #tpu.memory_space<vmem>>
    %dma_start3A_5 = tpu.memref_squeeze %dma_start3A_4 : memref<1x4xi32, #tpu.memory_space<vmem>> -> memref<4xi32, #tpu.memory_space<vmem>>
    %dma_start3A_6 = arith.constant 0 : i32
    %dma_start3A_7 = arith.constant 0 : i32
    %dma_start3A_8 = tpu.memref_slice %arg2[%dma_start3A_6, %dma_start3A_7] : memref<8192x8192xf32, #tpu.memory_space<hbm>> -> memref<8192x8192xf32, #tpu.memory_space<hbm>>
    tpu.enqueue_indirect_dma source(%dma_start3A_8 : memref<8192x8192xf32, #tpu.memory_space<hbm>>) target(%arg6 : memref<4x8192xf32, #tpu.memory_space<vmem>>) offsets(%dma_start3A_5 : memref<4xi32, #tpu.memory_space<vmem>>) semaphore(%arg9 : memref<!tpu.dma_semaphore, #tpu.memory_space<semaphore_mem>>)
    %dma_start3A_9 = arith.constant 1 : i32
    %dma_start3A_10 = arith.constant 0 : i32
    %dma_start3A_11 = tpu.memref_slice %arg5[%dma_start3A_9, %dma_start3A_10] : memref<64x4xi32, #tpu.memory_space<vmem>> -> memref<1x4xi32, #tpu.memory_space<vmem>>
    %dma_start3A_12 = tpu.memref_squeeze %dma_start3A_11 : memref<1x4xi32, #tpu.memory_space<vmem>> -> memref<4xi32, #tpu.memory_space<vmem>>
    %dma_start3A_13 = arith.constant 0 : i32
    %dma_start3A_14 = arith.constant 0 : i32
    %dma_start3A_15 = tpu.memref_slice %arg2[%dma_start3A_13, %dma_start3A_14] : memref<8192x8192xf32, #tpu.memory_space<hbm>> -> memref<8192x8192xf32, #tpu.memory_space<hbm>>
    tpu.enqueue_indirect_dma source(%dma_start3A_15 : memref<8192x8192xf32, #tpu.memory_space<hbm>>) target(%arg7 : memref<4x8192xf32, #tpu.memory_space<vmem>>) offsets(%dma_start3A_12 : memref<4xi32, #tpu.memory_space<vmem>>) semaphore(%arg10 : memref<!tpu.dma_semaphore, #tpu.memory_space<semaphore_mem>>)
    %dma_start3A_16 = arith.constant 2 : i32
    %dma_start3A_17 = arith.constant 0 : i32
    %dma_start3A_18 = tpu.memref_slice %arg5[%dma_start3A_16, %dma_start3A_17] : memref<64x4xi32, #tpu.memory_space<vmem>> -> memref<1x4xi32, #tpu.memory_space<vmem>>
    %dma_start3A_19 = tpu.memref_squeeze %dma_start3A_18 : memref<1x4xi32, #tpu.memory_space<vmem>> -> memref<4xi32, #tpu.memory_space<vmem>>
    %dma_start3A_20 = arith.constant 0 : i32
    %dma_start3A_21 = arith.constant 0 : i32
    %dma_start3A_22 = tpu.memref_slice %arg2[%dma_start3A_20, %dma_start3A_21] : memref<8192x8192xf32, #tpu.memory_space<hbm>> -> memref<8192x8192xf32, #tpu.memory_space<hbm>>
    tpu.enqueue_indirect_dma source(%dma_start3A_22 : memref<8192x8192xf32, #tpu.memory_space<hbm>>) target(%arg8 : memref<4x8192xf32, #tpu.memory_space<vmem>>) offsets(%dma_start3A_19 : memref<4xi32, #tpu.memory_space<vmem>>) semaphore(%arg11 : memref<!tpu.dma_semaphore, #tpu.memory_space<semaphore_mem>>)
    %scan3A = arith.constant 0 : i32
    %scan3A_23 = arith.constant 21 : i32
    %scan3A_24 = arith.addi %scan3A, %scan3A_23 : i32
    %scan3A_25 = arith.constant 1 : i32
    scf.for %scan3A_45 = %scan3A to %scan3A_24 step %scan3A_25  : i32 {
      %mul3A_46 = arith.constant 1 : i32
      %mul3A_47 = arith.muli %scan3A_45, %mul3A_46 : i32
      %add3A_48 = arith.constant 0 : i32
      %add3A_49 = arith.addi %add3A_48, %mul3A_47 : i32
      %mul3A_50 = arith.constant 3 : i32
      %mul3A_51 = arith.muli %add3A_49, %mul3A_50 : i32
      %add3A_52 = arith.constant 0 : i32
      %add3A_53 = arith.addi %mul3A_51, %add3A_52 : i32
      %dma_wait3A_54 = arith.constant 0 : i32
      %dma_wait3A_55 = arith.constant 0 : i32
      %dma_wait3A_56 = tpu.memref_slice %arg5[%dma_wait3A_54, %dma_wait3A_55] : memref<64x4xi32, #tpu.memory_space<vmem>> -> memref<1x4xi32, #tpu.memory_space<vmem>>
      %dma_wait3A_57 = tpu.memref_squeeze %dma_wait3A_56 : memref<1x4xi32, #tpu.memory_space<vmem>> -> memref<4xi32, #tpu.memory_space<vmem>>
      %dma_wait3A_58 = arith.constant 0 : i32
      %dma_wait3A_59 = arith.constant 0 : i32
      %dma_wait3A_60 = tpu.memref_slice %arg2[%dma_wait3A_58, %dma_wait3A_59] : memref<8192x8192xf32, #tpu.memory_space<hbm>> -> memref<8192x8192xf32, #tpu.memory_space<hbm>>
      tpu.wait_indirect_dma semaphore(%arg9 : memref<!tpu.dma_semaphore, #tpu.memory_space<semaphore_mem>>) src(%dma_wait3A_60 : memref<8192x8192xf32, #tpu.memory_space<hbm>>) dst(%arg6 : memref<4x8192xf32, #tpu.memory_space<vmem>>)
      %mul3A_61 = arith.constant 4 : i32
      %mul3A_62 = arith.muli %add3A_53, %mul3A_61 : i32
      %add3A_63 = arith.addi %mul3A_2, %mul3A_62 : i32
      %dma_start3A_64 = arith.constant 0 : i32
      %dma_start3A_65 = tpu.memref_slice %arg4[%add3A_63, %dma_start3A_64] : memref<8192x8192xf32, #tpu.memory_space<hbm>> -> memref<4x8192xf32, #tpu.memory_space<hbm>>
      %dma_start3A_66 = arith.constant 0 : i32
      %dma_start3A_67 = tpu.memref_slice %arg4[%add3A_63, %dma_start3A_66] : memref<8192x8192xf32, #tpu.memory_space<hbm>> -> memref<4x8192xf32, #tpu.memory_space<hbm>>
      tpu.enqueue_dma source(%arg6 : memref<4x8192xf32, #tpu.memory_space<vmem>>) target(%dma_start3A_67 : memref<4x8192xf32, #tpu.memory_space<hbm>>) target_semaphore(%arg12 : memref<!tpu.dma_semaphore, #tpu.memory_space<semaphore_mem>>)
      %dma_wait3A_68 = arith.constant 0 : i32
      %dma_wait3A_69 = arith.constant 0 : i32
      %dma_wait3A_70 = tpu.memref_slice %arg4[%dma_wait3A_68, %dma_wait3A_69] : memref<8192x8192xf32, #tpu.memory_space<hbm>> -> memref<4x8192xf32, #tpu.memory_space<hbm>>
      %dma_wait3A_71 = arith.constant 0 : i32
      %dma_wait3A_72 = arith.constant 0 : i32
      %dma_wait3A_73 = tpu.memref_slice %arg4[%dma_wait3A_71, %dma_wait3A_72] : memref<8192x8192xf32, #tpu.memory_space<hbm>> -> memref<4x8192xf32, #tpu.memory_space<hbm>>
      tpu.wait_dma2 semaphore(%arg12 : memref<!tpu.dma_semaphore, #tpu.memory_space<semaphore_mem>>) src(%arg6 : memref<4x8192xf32, #tpu.memory_space<vmem>>) dst(%dma_wait3A_73 : memref<4x8192xf32, #tpu.memory_space<hbm>>)
      %add3A_74 = arith.constant 3 : i32
      %add3A_75 = arith.addi %add3A_53, %add3A_74 : i32
      %lt3A = arith.constant 64 : i32
      %lt3A_76 = arith.cmpi slt, %add3A_75, %lt3A : i32
      %convert_element_type3A = arith.extui %lt3A_76 : i1 to i32
      %cond3A = arith.constant 0 : i32
      %cond3A_77 = arith.cmpi ne, %convert_element_type3A, %cond3A : i32
      scf.if %cond3A_77 {
        %dma_start3A_140 = arith.constant 0 : i32
        %dma_start3A_141 = tpu.memref_slice %arg5[%add3A_75, %dma_start3A_140] : memref<64x4xi32, #tpu.memory_space<vmem>> -> memref<1x4xi32, #tpu.memory_space<vmem>>
        %dma_start3A_142 = tpu.memref_squeeze %dma_start3A_141 : memref<1x4xi32, #tpu.memory_space<vmem>> -> memref<4xi32, #tpu.memory_space<vmem>>
        %dma_start3A_143 = arith.constant 0 : i32
        %dma_start3A_144 = arith.constant 0 : i32
        %dma_start3A_145 = tpu.memref_slice %arg2[%dma_start3A_143, %dma_start3A_144] : memref<8192x8192xf32, #tpu.memory_space<hbm>> -> memref<8192x8192xf32, #tpu.memory_space<hbm>>
        tpu.enqueue_indirect_dma source(%dma_start3A_145 : memref<8192x8192xf32, #tpu.memory_space<hbm>>) target(%arg6 : memref<4x8192xf32, #tpu.memory_space<vmem>>) offsets(%dma_start3A_142 : memref<4xi32, #tpu.memory_space<vmem>>) semaphore(%arg9 : memref<!tpu.dma_semaphore, #tpu.memory_space<semaphore_mem>>)
      } else {
      }
      %mul3A_78 = arith.constant 3 : i32
      %mul3A_79 = arith.muli %add3A_49, %mul3A_78 : i32
      %add3A_80 = arith.constant 1 : i32
      %add3A_81 = arith.addi %mul3A_79, %add3A_80 : i32
      %dma_wait3A_82 = arith.constant 0 : i32
      %dma_wait3A_83 = arith.constant 0 : i32
      %dma_wait3A_84 = tpu.memref_slice %arg5[%dma_wait3A_82, %dma_wait3A_83] : memref<64x4xi32, #tpu.memory_space<vmem>> -> memref<1x4xi32, #tpu.memory_space<vmem>>
      %dma_wait3A_85 = tpu.memref_squeeze %dma_wait3A_84 : memref<1x4xi32, #tpu.memory_space<vmem>> -> memref<4xi32, #tpu.memory_space<vmem>>
      %dma_wait3A_86 = arith.constant 0 : i32
      %dma_wait3A_87 = arith.constant 0 : i32
      %dma_wait3A_88 = tpu.memref_slice %arg2[%dma_wait3A_86, %dma_wait3A_87] : memref<8192x8192xf32, #tpu.memory_space<hbm>> -> memref<8192x8192xf32, #tpu.memory_space<hbm>>
      tpu.wait_indirect_dma semaphore(%arg10 : memref<!tpu.dma_semaphore, #tpu.memory_space<semaphore_mem>>) src(%dma_wait3A_88 : memref<8192x8192xf32, #tpu.memory_space<hbm>>) dst(%arg7 : memref<4x8192xf32, #tpu.memory_space<vmem>>)
      %mul3A_89 = arith.constant 4 : i32
      %mul3A_90 = arith.muli %add3A_81, %mul3A_89 : i32
      %add3A_91 = arith.addi %mul3A_2, %mul3A_90 : i32
      %dma_start3A_92 = arith.constant 0 : i32
      %dma_start3A_93 = tpu.memref_slice %arg4[%add3A_91, %dma_start3A_92] : memref<8192x8192xf32, #tpu.memory_space<hbm>> -> memref<4x8192xf32, #tpu.memory_space<hbm>>
      %dma_start3A_94 = arith.constant 0 : i32
      %dma_start3A_95 = tpu.memref_slice %arg4[%add3A_91, %dma_start3A_94] : memref<8192x8192xf32, #tpu.memory_space<hbm>> -> memref<4x8192xf32, #tpu.memory_space<hbm>>
      tpu.enqueue_dma source(%arg7 : memref<4x8192xf32, #tpu.memory_space<vmem>>) target(%dma_start3A_95 : memref<4x8192xf32, #tpu.memory_space<hbm>>) target_semaphore(%arg13 : memref<!tpu.dma_semaphore, #tpu.memory_space<semaphore_mem>>)
      %dma_wait3A_96 = arith.constant 0 : i32
      %dma_wait3A_97 = arith.constant 0 : i32
      %dma_wait3A_98 = tpu.memref_slice %arg4[%dma_wait3A_96, %dma_wait3A_97] : memref<8192x8192xf32, #tpu.memory_space<hbm>> -> memref<4x8192xf32, #tpu.memory_space<hbm>>
      %dma_wait3A_99 = arith.constant 0 : i32
      %dma_wait3A_100 = arith.constant 0 : i32
      %dma_wait3A_101 = tpu.memref_slice %arg4[%dma_wait3A_99, %dma_wait3A_100] : memref<8192x8192xf32, #tpu.memory_space<hbm>> -> memref<4x8192xf32, #tpu.memory_space<hbm>>
      tpu.wait_dma2 semaphore(%arg13 : memref<!tpu.dma_semaphore, #tpu.memory_space<semaphore_mem>>) src(%arg7 : memref<4x8192xf32, #tpu.memory_space<vmem>>) dst(%dma_wait3A_101 : memref<4x8192xf32, #tpu.memory_space<hbm>>)
      %add3A_102 = arith.constant 3 : i32
      %add3A_103 = arith.addi %add3A_81, %add3A_102 : i32
      %lt3A_104 = arith.constant 64 : i32
      %lt3A_105 = arith.cmpi slt, %add3A_103, %lt3A_104 : i32
      %convert_element_type3A_106 = arith.extui %lt3A_105 : i1 to i32
      %cond3A_107 = arith.constant 0 : i32
      %cond3A_108 = arith.cmpi ne, %convert_element_type3A_106, %cond3A_107 : i32
      scf.if %cond3A_108 {
        %dma_start3A_140 = arith.constant 0 : i32
        %dma_start3A_141 = tpu.memref_slice %arg5[%add3A_103, %dma_start3A_140] : memref<64x4xi32, #tpu.memory_space<vmem>> -> memref<1x4xi32, #tpu.memory_space<vmem>>
        %dma_start3A_142 = tpu.memref_squeeze %dma_start3A_141 : memref<1x4xi32, #tpu.memory_space<vmem>> -> memref<4xi32, #tpu.memory_space<vmem>>
        %dma_start3A_143 = arith.constant 0 : i32
        %dma_start3A_144 = arith.constant 0 : i32
        %dma_start3A_145 = tpu.memref_slice %arg2[%dma_start3A_143, %dma_start3A_144] : memref<8192x8192xf32, #tpu.memory_space<hbm>> -> memref<8192x8192xf32, #tpu.memory_space<hbm>>
        tpu.enqueue_indirect_dma source(%dma_start3A_145 : memref<8192x8192xf32, #tpu.memory_space<hbm>>) target(%arg7 : memref<4x8192xf32, #tpu.memory_space<vmem>>) offsets(%dma_start3A_142 : memref<4xi32, #tpu.memory_space<vmem>>) semaphore(%arg10 : memref<!tpu.dma_semaphore, #tpu.memory_space<semaphore_mem>>)
      } else {
      }
      %mul3A_109 = arith.constant 3 : i32
      %mul3A_110 = arith.muli %add3A_49, %mul3A_109 : i32
      %add3A_111 = arith.constant 2 : i32
      %add3A_112 = arith.addi %mul3A_110, %add3A_111 : i32
      %dma_wait3A_113 = arith.constant 0 : i32
      %dma_wait3A_114 = arith.constant 0 : i32
      %dma_wait3A_115 = tpu.memref_slice %arg5[%dma_wait3A_113, %dma_wait3A_114] : memref<64x4xi32, #tpu.memory_space<vmem>> -> memref<1x4xi32, #tpu.memory_space<vmem>>
      %dma_wait3A_116 = tpu.memref_squeeze %dma_wait3A_115 : memref<1x4xi32, #tpu.memory_space<vmem>> -> memref<4xi32, #tpu.memory_space<vmem>>
      %dma_wait3A_117 = arith.constant 0 : i32
      %dma_wait3A_118 = arith.constant 0 : i32
      %dma_wait3A_119 = tpu.memref_slice %arg2[%dma_wait3A_117, %dma_wait3A_118] : memref<8192x8192xf32, #tpu.memory_space<hbm>> -> memref<8192x8192xf32, #tpu.memory_space<hbm>>
      tpu.wait_indirect_dma semaphore(%arg11 : memref<!tpu.dma_semaphore, #tpu.memory_space<semaphore_mem>>) src(%dma_wait3A_119 : memref<8192x8192xf32, #tpu.memory_space<hbm>>) dst(%arg8 : memref<4x8192xf32, #tpu.memory_space<vmem>>)
      %mul3A_120 = arith.constant 4 : i32
      %mul3A_121 = arith.muli %add3A_112, %mul3A_120 : i32
      %add3A_122 = arith.addi %mul3A_2, %mul3A_121 : i32
      %dma_start3A_123 = arith.constant 0 : i32
      %dma_start3A_124 = tpu.memref_slice %arg4[%add3A_122, %dma_start3A_123] : memref<8192x8192xf32, #tpu.memory_space<hbm>> -> memref<4x8192xf32, #tpu.memory_space<hbm>>
      %dma_start3A_125 = arith.constant 0 : i32
      %dma_start3A_126 = tpu.memref_slice %arg4[%add3A_122, %dma_start3A_125] : memref<8192x8192xf32, #tpu.memory_space<hbm>> -> memref<4x8192xf32, #tpu.memory_space<hbm>>
      tpu.enqueue_dma source(%arg8 : memref<4x8192xf32, #tpu.memory_space<vmem>>) target(%dma_start3A_126 : memref<4x8192xf32, #tpu.memory_space<hbm>>) target_semaphore(%arg14 : memref<!tpu.dma_semaphore, #tpu.memory_space<semaphore_mem>>)
      %dma_wait3A_127 = arith.constant 0 : i32
      %dma_wait3A_128 = arith.constant 0 : i32
      %dma_wait3A_129 = tpu.memref_slice %arg4[%dma_wait3A_127, %dma_wait3A_128] : memref<8192x8192xf32, #tpu.memory_space<hbm>> -> memref<4x8192xf32, #tpu.memory_space<hbm>>
      %dma_wait3A_130 = arith.constant 0 : i32
      %dma_wait3A_131 = arith.constant 0 : i32
      %dma_wait3A_132 = tpu.memref_slice %arg4[%dma_wait3A_130, %dma_wait3A_131] : memref<8192x8192xf32, #tpu.memory_space<hbm>> -> memref<4x8192xf32, #tpu.memory_space<hbm>>
      tpu.wait_dma2 semaphore(%arg14 : memref<!tpu.dma_semaphore, #tpu.memory_space<semaphore_mem>>) src(%arg8 : memref<4x8192xf32, #tpu.memory_space<vmem>>) dst(%dma_wait3A_132 : memref<4x8192xf32, #tpu.memory_space<hbm>>)
      %add3A_133 = arith.constant 3 : i32
      %add3A_134 = arith.addi %add3A_112, %add3A_133 : i32
      %lt3A_135 = arith.constant 64 : i32
      %lt3A_136 = arith.cmpi slt, %add3A_134, %lt3A_135 : i32
      %convert_element_type3A_137 = arith.extui %lt3A_136 : i1 to i32
      %cond3A_138 = arith.constant 0 : i32
      %cond3A_139 = arith.cmpi ne, %convert_element_type3A_137, %cond3A_138 : i32
      scf.if %cond3A_139 {
        %dma_start3A_140 = arith.constant 0 : i32
        %dma_start3A_141 = tpu.memref_slice %arg5[%add3A_134, %dma_start3A_140] : memref<64x4xi32, #tpu.memory_space<vmem>> -> memref<1x4xi32, #tpu.memory_space<vmem>>
        %dma_start3A_142 = tpu.memref_squeeze %dma_start3A_141 : memref<1x4xi32, #tpu.memory_space<vmem>> -> memref<4xi32, #tpu.memory_space<vmem>>
        %dma_start3A_143 = arith.constant 0 : i32
        %dma_start3A_144 = arith.constant 0 : i32
        %dma_start3A_145 = tpu.memref_slice %arg2[%dma_start3A_143, %dma_start3A_144] : memref<8192x8192xf32, #tpu.memory_space<hbm>> -> memref<8192x8192xf32, #tpu.memory_space<hbm>>
        tpu.enqueue_indirect_dma source(%dma_start3A_145 : memref<8192x8192xf32, #tpu.memory_space<hbm>>) target(%arg8 : memref<4x8192xf32, #tpu.memory_space<vmem>>) offsets(%dma_start3A_142 : memref<4xi32, #tpu.memory_space<vmem>>) semaphore(%arg11 : memref<!tpu.dma_semaphore, #tpu.memory_space<semaphore_mem>>)
      } else {
      }
    }
    %scan3A_26 = arith.constant 21 : i32
    %dma_wait3A = arith.constant 0 : i32
    %dma_wait3A_27 = arith.constant 0 : i32
    %dma_wait3A_28 = tpu.memref_slice %arg5[%dma_wait3A, %dma_wait3A_27] : memref<64x4xi32, #tpu.memory_space<vmem>> -> memref<1x4xi32, #tpu.memory_space<vmem>>
    %dma_wait3A_29 = tpu.memref_squeeze %dma_wait3A_28 : memref<1x4xi32, #tpu.memory_space<vmem>> -> memref<4xi32, #tpu.memory_space<vmem>>
    %dma_wait3A_30 = arith.constant 0 : i32
    %dma_wait3A_31 = arith.constant 0 : i32
    %dma_wait3A_32 = tpu.memref_slice %arg2[%dma_wait3A_30, %dma_wait3A_31] : memref<8192x8192xf32, #tpu.memory_space<hbm>> -> memref<8192x8192xf32, #tpu.memory_space<hbm>>
    tpu.wait_indirect_dma semaphore(%arg9 : memref<!tpu.dma_semaphore, #tpu.memory_space<semaphore_mem>>) src(%dma_wait3A_32 : memref<8192x8192xf32, #tpu.memory_space<hbm>>) dst(%arg6 : memref<4x8192xf32, #tpu.memory_space<vmem>>)
    %add3A_33 = arith.constant 252 : i32
    %add3A_34 = arith.addi %mul3A_2, %add3A_33 : i32
    %dma_start3A_35 = arith.constant 0 : i32
    %dma_start3A_36 = tpu.memref_slice %arg4[%add3A_34, %dma_start3A_35] : memref<8192x8192xf32, #tpu.memory_space<hbm>> -> memref<4x8192xf32, #tpu.memory_space<hbm>>
    %dma_start3A_37 = arith.constant 0 : i32
    %dma_start3A_38 = tpu.memref_slice %arg4[%add3A_34, %dma_start3A_37] : memref<8192x8192xf32, #tpu.memory_space<hbm>> -> memref<4x8192xf32, #tpu.memory_space<hbm>>
    tpu.enqueue_dma source(%arg6 : memref<4x8192xf32, #tpu.memory_space<vmem>>) target(%dma_start3A_38 : memref<4x8192xf32, #tpu.memory_space<hbm>>) target_semaphore(%arg12 : memref<!tpu.dma_semaphore, #tpu.memory_space<semaphore_mem>>)
    %dma_wait3A_39 = arith.constant 0 : i32
    %dma_wait3A_40 = arith.constant 0 : i32
    %dma_wait3A_41 = tpu.memref_slice %arg4[%dma_wait3A_39, %dma_wait3A_40] : memref<8192x8192xf32, #tpu.memory_space<hbm>> -> memref<4x8192xf32, #tpu.memory_space<hbm>>
    %dma_wait3A_42 = arith.constant 0 : i32
    %dma_wait3A_43 = arith.constant 0 : i32
    %dma_wait3A_44 = tpu.memref_slice %arg4[%dma_wait3A_42, %dma_wait3A_43] : memref<8192x8192xf32, #tpu.memory_space<hbm>> -> memref<4x8192xf32, #tpu.memory_space<hbm>>
    tpu.wait_dma2 semaphore(%arg12 : memref<!tpu.dma_semaphore, #tpu.memory_space<semaphore_mem>>) src(%arg6 : memref<4x8192xf32, #tpu.memory_space<vmem>>) dst(%dma_wait3A_44 : memref<4x8192xf32, #tpu.memory_space<hbm>>)
    return
  }
}

</mosaic_0001>

<sc_bundles>
// kernel: kernel.3.cloned.1.call-start
scs
__scs_entry_jumppad:
0x0: {  	(pc) =	sbr.rel $0x88, $3  }
0x1: {  	(tag) =	ssettag $0x0;
	lr =	simm.s32 $0x1  }
0x2: {  	[smem:$0x3F9F] =	sst lr;
	_ =	strace $0xD0000000  }
0x3: {  	_ = 	snop  }
0x4: {  	_ = 	snop  }
0x5: {  	_ = 	snop  }
0x6: {  	_ = 	snop  }
0x7: {  	_ = 	snop  }
__scs_overlays_trampoline_lowered:
0x8: {  	[smem:$0x3FAE] =	sst s0  }
0x9: {  	[smem:$0x3FAF] =	sst s1  }
0xa: {  	[smem:$0x3FB0] =	sst s2  }
0xb: {  	[smem:$0x3FB1] =	sst s3  }
0xc: {  	[smem:$0x3FB2] =	sst s4  }
0xd: {  	[smem:$0x3FB3] =	sst s5  }
0xe: {  	[smem:$0x3FB4] =	sst s6  }
0xf: {  	[smem:$0x3FB5] =	sst s7  }
0x10: {  	[smem:$0x3FB6] =	sst s8  }
0x11: {  	[smem:$0x3FB7] =	sst s9;
	s0 =	simm.s32 @!p0 $0x0  }
0x12: {  	s1 =	sld [smem:$0x3F9D];
	s0 =	simm.s32 @p0 $0x1  }
0x13: {  	[smem:$0x3FB8] =	sst s0;
	s0 =	simm.s32 @!p1 $0x0  }
0x14: {  	s2 =	sld [smem:$0x3F9C];
	s0 =	simm.s32 @p1 $0x1  }
0x15: {  	[smem:$0x3FB9] =	sst s0;
	s0 =	simm.s32 @!p2 $0x0  }
0x16: {  	s3 =	sld [smem:$0x3FDB];
	s0 =	simm.s32 @p2 $0x1  }
0x17: {  	s4 =	simm.s32 $0x1BF5;
	[smem:$0x3FBB] =	sst s0  }
0x18: {  	s0 =	sld [smem:$0x3F9E];
	_ =	swait.ge [sflag:s4], $0x0  }
0x19: {  	s7 =	sld [smem:$0x3F9F]  }
0x1a: {  	s8 =	sadd.s32 $0xFFFFE003, lr  }
0x1b: {  	s9 =	sadd.s32 $0xFFFFFEF7, lr;
	s5 =	simm.s32 $0xFFFFFFFF;
	p2 =	slt.u32 s8, $0xFFFFF086  }
0x1c: {  	p1 =	slt.u32 s9, $0xF7A;
	s5 =	simm.s32 @!p2 $0x0  }
0x1d: {  	s5 =	simm.s32 @p1 $0x1;
	p0 =	seq.s32 s7, s2  }
0x1e: {  	s7 =	smul.u32 @!p0 $0xF7A, s2;
	p2 =	seq.s32 @!p0 s5, $0x0  }
0x1f: {  	s9 =	smul.u32 $0xF7A, s1;
	s8 =	simm.s32 @!p0 $0x1BF5;
	p2 =	por !p2, p0  }
0x20: {  	[sflag:s8] =	ssyncset.s32 @!p0 $0xFFFFF086;
	s6 =	sadd.s32 @!p0 s3, s7;
	s7 =	simm.s32 @!p0 $0x108  }
0x21: {  	s3 =	sadd.s32 s3, s9;
	s6 =	sadd.s32 @!p0 $0x88, s6;
	s7 =	simm.s32 @p2 $0x1082  }
0x22: {  	[simem:s7], [sflag:s8] =	dma.local @!p0 [hbm:s6], $0xF7A  }
0x23: {  	s9 =	sor.u32 $0xD0000000, s2;
	s6 =	simm.s32 $0x108;
	_ =	swait.ge @!p0 [sflag:s8], $0x0  }
0x24: {  	s3 =	sadd.s32 $0x88, s3;
	s6 =	simm.s32 @!p1 $0x1082;
	[sflag:s4] =	ssyncset.s32 $0xFFFFF086  }
0x25: {  	[simem:s6], [sflag:s4] =	dma.local [hbm:s3], $0xF7A  }
0x26: {  	[smem:$0x3F9F] =	sst s1;
	(tag) =	ssettag s2;
	_ =	strace s9  }
0x27: {  	s1 =	sld [smem:$0x3FAF]  }
0x28: {  	s2 =	sld [smem:$0x3FB0]  }
0x29: {  	s4 =	sld [smem:$0x3FB2]  }
0x2a: {  	p0 =	seq.s32 s5, $0x0;
	s5 =	sld [smem:$0x3FB3]  }
0x2b: {  	s6 =	sld [smem:$0x3FB4]  }
0x2c: {  	s7 =	sld [smem:$0x3FB5]  }
0x2d: {  	s3 =	simm.s32 $0x108;
	s8 =	sld [smem:$0x3FB6]  }
0x2e: {  	s3 =	simm.s32 @!p0 $0x1082;
	s9 =	sld [smem:$0x3FB7]  }
0x2f: {  	lr =	sadd.s32 s0, s3;
	s0 =	sld [smem:$0x3FAE]  }
0x30: {  	s3 =	sld [smem:$0x3FB1]  }
0x31: {  	[smem:$0x3FBA] =	sst s10  }
0x32: {  	s10 =	sld [smem:$0x3FB8];
	_ =	sdelay $0x3  }
0x33: {  	p0 =	seq.s32 s10, $0x1;
	s10 =	sld [smem:$0x3FBA];
	_ =	sdelay $0x3  }
0x34: {  	[smem:$0x3FBA] =	sst s10  }
0x35: {  	s10 =	sld [smem:$0x3FB9];
	_ =	sdelay $0x3  }
0x36: {  	p1 =	seq.s32 s10, $0x1;
	s10 =	sld [smem:$0x3FBA];
	_ =	sdelay $0x3  }
0x37: {  	[smem:$0x3FBA] =	sst s10  }
0x38: {  	s10 =	sld [smem:$0x3FBB]  }
0x39: {  	_ = 	snop;
	(pc) =	sbr.ind lr, $3  }
0x3a: {  	_ = 	snop  }
0x3b: {  	_ = 	snop  }
0x3c: {  	p2 =	seq.s32 s10, $0x1;
	s10 =	sld [smem:$0x3FBA]  }
0x3d: {  	_ =	shalt  }
0x3e: {  	_ =	shalt  }
0x3f: {  	_ =	shalt  }
0x40: {  	_ =	shalt  }
0x41: {  	_ =	shalt  }
0x42: {  	_ =	shalt  }
0x43: {  	_ =	shalt  }
0x44: {  	_ =	shalt  }
0x45: {  	_ =	shalt  }
0x46: {  	_ =	shalt  }
0x47: {  	_ =	shalt  }
0x48: {  	_ =	shalt  }
0x49: {  	_ =	shalt  }
0x4a: {  	_ =	shalt  }
0x4b: {  	_ =	shalt  }
0x4c: {  	_ =	shalt  }
0x4d: {  	_ =	shalt  }
0x4e: {  	_ =	shalt  }
0x4f: {  	_ =	shalt  }
0x50: {  	_ =	shalt  }
0x51: {  	_ =	shalt  }
0x52: {  	_ =	shalt  }
0x53: {  	_ =	shalt  }
0x54: {  	_ =	shalt  }
0x55: {  	_ =	shalt  }
0x56: {  	_ =	shalt  }
0x57: {  	_ =	shalt  }
0x58: {  	_ =	shalt  }
0x59: {  	_ =	shalt  }
0x5a: {  	_ =	shalt  }
0x5b: {  	_ =	shalt  }
0x5c: {  	_ =	shalt  }
0x5d: {  	_ =	shalt  }
0x5e: {  	_ =	shalt  }
0x5f: {  	_ =	shalt  }
0x60: {  	_ =	shalt  }
0x61: {  	_ =	shalt  }
0x62: {  	_ =	shalt  }
0x63: {  	_ =	shalt  }
0x64: {  	_ =	shalt  }
0x65: {  	_ =	shalt  }
0x66: {  	_ =	shalt  }
0x67: {  	_ =	shalt  }
0x68: {  	_ =	shalt  }
0x69: {  	_ =	shalt  }
0x6a: {  	_ =	shalt  }
0x6b: {  	_ =	shalt  }
0x6c: {  	_ =	shalt  }
0x6d: {  	_ =	shalt  }
0x6e: {  	_ =	shalt  }
0x6f: {  	_ =	shalt  }
0x70: {  	_ =	shalt  }
0x71: {  	_ =	shalt  }
0x72: {  	_ =	shalt  }
0x73: {  	_ =	shalt  }
0x74: {  	_ =	shalt  }
0x75: {  	_ =	shalt  }
0x76: {  	_ =	shalt  }
0x77: {  	_ =	shalt  }
0x78: {  	_ =	shalt  }
0x79: {  	_ =	shalt  }
0x7a: {  	_ =	shalt  }
0x7b: {  	_ =	shalt  }
0x7c: {  	_ =	shalt  }
0x7d: {  	_ =	shalt  }
0x7e: {  	_ =	shalt  }
0x7f: {  	_ =	shalt  }
0x80: {  	_ =	shalt  }
0x81: {  	_ =	shalt  }
0x82: {  	_ =	shalt  }
0x83: {  	_ =	shalt  }
0x84: {  	_ =	shalt  }
0x85: {  	_ =	shalt  }
0x86: {  	_ =	shalt  }
0x87: {  	_ =	shalt  }
.Lfunc_end0:
.L_simem_size_0:
called_computation_lowered:
.L_overlay_start_0:
0x88: {  	s2 =	sld [smem:$0x3FD9]  }
0x89: {  	s3 =	sld [smem:$0x3FFE];
	_ =	sdelay $0x1  }
0x8a: {  	s1 =	srdreg.scid  }
0x8b: {  	s0 =	sand.u32 $0x1, s1  }
0x8c: {  	s17 =	sshll.u32 s0, $0xA;
	s2 =	sadd.s32 s3, s2  }
0x8d: {  	s2 =	sadd.s32 s2, s17  }
0x8e: {  	[smem:$0x3FC6] =	sst s2  }
0x8f: {  	_ = 	snop  }
0x90: {  	s2 =	sld [smem:$0x3FC8]  }
0x91: {  	s18 =	sld [smem:$0x3FD0];
	(tm) =	ssettm $0x1  }
0x92: {  	s4 =	sld [smem:$0x3FFB];
	_ =	sdelay $0x3  }
0x93: {  	_ =	strace s4  }
0x94: {  	s4 =	sld [smem:$0x3FFC];
	_ =	sdelay $0x3  }
0x95: {  	_ =	strace s4  }
0x96: {  	s4 =	sld [smem:$0x3FFD];
	_ =	sdelay $0x3  }
0x97: {  	_ =	strace s4  }
0x98: {  	_ =	strace $0x8FFFFFFF  }
0x99: {  	s19 =	sld [smem:$0x3FDB];
	_ =	sdelay $0x1  }
0x9a: {  	s5 =	simm.s32 $_scs_section_size  }
0x9b: {  	s6 =	simm.s32 $_size__tile_overlayer_lowered;
	s7 =	simm.s32 $_tile_overlayer_lowered  }
0x9c: {  	s22 =	simm.s32 $0x1BFF;
	s21 =	sshll.u32 s7, $0x1;
	s4 =	sadd.s32 s5, s19  }
0x9d: {  	s8 =	simm.s32 $0x0;
	s20 =	sshll.u32 s6, $0x1;
	s6 =	sadd.s32 s21, s4  }
0x9e: {  	[timem:s8], [sflag:s22] =	dma.local [hbm:s6], s20  }
0x9f: {  	_ =	swait.ge [sflag:s22], s20  }
0xa0: {  	s5 =	ssub.s32 $0x0, s20;
	[sflag:s22] =	ssyncset.done $0x0  }
0xa1: {  	[sflag:s22] =	ssyncadd.s32 s5;
	_ =	sdelay $0x1  }
0xa2: {  	s23 =	simm.s32 $0x1B8B  }
0xa3: {  	_ =	swait.ge [sflag:s23], $0x1  }
0xa4: {  	[sflag:s23] =	ssyncset.done $0x0  }
0xa5: {  	s25 =	simm.s32 $0x1B8E;
	s24 =	sld [smem:$0x3FFE];
	[sflag:s23] =	ssyncadd.s32 $0xFFFFFFFF  }
0xa6: {  	s26 =	simm.s32 $execute0_lowered;
	[smem:$0x3FD2] =	sst s25  }
0xa7: {  	s6 =	sshll.u32 s26, $0x1;
	_ =	strace $0x80000046;
	[dreg:$0x1] =	wrdreg $0xFFFFFFFF  }
0xa8: {  	s28 =	simm.s32 $_size_execute0_lowered;
	s4 =	sadd.s32 s4, s6;
	[dreg:$0x0] =	wrdreg $0x0  }
0xa9: {  	s6 =	sshll.u32 s28, $0x1;
	[dreg:$0x2] =	wrdreg s4  }
0xaa: {  	[dreg:$0x3] =	wrdreg s6  }
0xab: {  	[dreg:$0x4] =	wrdreg $0xC0  }
0xac: {  	_ =	task [dreg:s8], $0x5FFFF  }
0xad: {  	[dreg:$0x1] =	wrdreg $0xFFFFFFFF  }
0xae: {  	[dreg:$0x0] =	wrdreg $0x60  }
0xaf: {  	[dreg:$0x2] =	wrdreg s2  }
0xb0: {  	[dreg:$0x3] =	wrdreg s24  }
0xb1: {  	[dreg:$0x4] =	wrdreg s18  }
0xb2: {  	[dreg:$0x5] =	wrdreg $0x9  }
0xb3: {  	_ =	task.clear_ibuf [dreg:s8], $0x6FFFF;
	_ =	strace $0x90000046  }
0xb4: {  	s29 =	simm.s32 $0x9;
	_ =	strace $0x80000048  }
0xb5: {  	_ =	swait.ge [sflag:s29], $0x1  }
0xb6: {  	[sflag:s29] =	ssyncadd.s32 $0xFFFFFFFF  }
0xb7: {  	_ =	strace $0x90000048  }
0xb8: {  	_ =	sfence  }
0xb9: {  	s30 =	sld [smem:$0x0];
	_ =	sdelay $0x2  }
0xba: {  	s31 =	sshll.u32 s1, $0xD;
	s1 =	sshrl.u32 s1, $0x2  }
0xbb: {  	s3 =	sand.u32 $0x4000, s31;
	s1 =	sadd.s32 s1, s30  }
0xbc: {  	s0 =	sor.u32 s3, s0;
	s1 =	sshll.u32 s1, $0x11  }
0xbd: {  	s0 =	sor.u32 s1, s0  }
0xbe: {  	s0 =	sadd.s32 $0x8F2B, s0  }
0xbf: {  	[sflag:s0] =	ssyncadd.remote.s32 $0x1  }
0xc0: {  	_ =	sfence.sel $0xFFFF  }
0xc1: {  	[dreg:$0x0] =	wrdreg $0xFFFFFFFF;
	(pc) =	sbr.abs _section_cstart, $3  }
0xc2: {  	[dreg:$0x1] =	wrdreg $0xFFFFFFFF  }
0xc3: {  	_ =	task.clear_ibuf [dreg:s8], $0x2FFFF;
	_ =	strace $0x9FFFFFFF  }
0xc4: {  	(tm) =	ssettm $0x7FFFFFFF  }
0xc5: {  	_ =	shalt  }
tec
execute0_lowered:
.L_overlay_start_1:
0x0: {  	(tag) =	ssettag $0x1  }
0x1: {  	s28 =	rddreg [dreg:$0x0]  }
0x2: {  	s0 =	rddreg [dreg:$0x1]  }
0x3: {  	s21 =	rddreg [dreg:$0x2];
	s1 =	srdreg.scid  }
0x4: {  	s2 =	stileid.u32;
	s4 =	simm.s32 $0x0;
	s25 =	simm.s32 $0x12000  }
0x5: {  	s30 =	simm.s32 $0x4;
	s1 =	sand.u32 $0x1, s1;
	s3 =	sshll.u32 s2, $0x1  }
0x6: {  	[smem:$0x7FF] =	sst s4;
	s8 =	sadd.s32 $0x600, s28;
	s9 =	sadd.s32 $0x800, s28  }
0x7: {  	s10 =	sadd.s32 $0xA00, s28;
	s11 =	sadd.s32 $0xC00, s28;
	s12 =	sadd.s32 $0xE00, s28  }
0x8: {  	s13 =	sadd.s32 $0x1000, s28;
	s14 =	sadd.s32 $0x1200, s28;
	s15 =	sadd.s32 $0x1400, s28  }
0x9: {  	s16 =	sadd.s32 $0x1600, s28;
	s17 =	sadd.s32 $0x1800, s28;
	s18 =	sadd.s32 $0x1A00, s28  }
0xa: {  	s19 =	sadd.s32 $0x1C00, s28;
	s20 =	sadd.s32 $0x1E00, s28;
	s29 =	sshll.u32 s2, $0x13  }
0xb: {  	s2 =	simm.s32 $0x2000;
	s3 =	sor.u32 s1, s3;
	s5 =	ssub.s32 $0x2, s1  }
0xc: {  	_ =	strace $0x80000047;
	s1 =	sshll.u32 s1, $0x12;
	s6 =	sshll.u32 s3, $0xA  }
0xd: {  	s7 =	sshrl.u32 s5, $0x1;
	s26 =	sshll.u32 s3, $0x12;
	s0 =	sadd.s32 s6, s0  }
.Ltmp0:
0xe: {  	s5 =	ssub.s32 s5, s7;
	s0 =	sadd.s32 $0x400, s0;
	(pc) =	sbr.rel .LBB2_1-.Ltmp0, $4  }
0xf: {  	s31 =	smax.u32 s5, $0x1;
	[dreg:$0x4] =	wrdreg s0;
	s0 =	sadd.s32 s26, s21  }
0x10: {  	v0 =	vlaneseq.u32;
	s6 =	sadd.s32 $0x200, s28;
	[dreg:$0x6] =	wrdreg s31;
	s0 =	sadd.s32 $0x3E040, s0  }
0x11: {  	v1 =	vshrl.u32 v0, $0x2;
	s7 =	sadd.s32 $0x400, s28;
	[dreg:$0x5] =	wrdreg s0;
	s0 =	sor.u32 s1, s29  }
0x12: {  	vm0 =	vmmov $0xffff;
	v0 =	vand.u32 $0x3, v0;
	v1 =	vmul.u32 $0x8, v1;
	s5 =	simm.s32 $0x400;
	s1 =	simm.s32 $0x0;
	[dreg:$0x7] =	wrdreg s0  }
.LBB2_4:
0x13: {  	s0 =	simm.s32 $0x1  }
0x14: {  	_ =	swait.ge [sflag:s0], $0x8000  }
0x15: {  	[sflag:s0] =	ssyncset.done $0x0  }
0x16: {  	s2 =	simm.s32 $0x2000;
	s26 =	rddreg [dreg:$0x5];
	[sflag:s0] =	ssyncadd.s32 $0xFFFF8000  }
0x17: {  	[hbm4b:s26+s28] =	stream.strided.scatter [tilespmem:s2], [sflag:$0x4], $0x8000, s31, s28, $0x38;
	[tilespmem:$0x1A000] =	vst v63  }
0x18: {  	_ =	swait.ge [sflag:s30], $0x8000  }
0x19: {  	s1 =	rddreg [dreg:$0x8]  }
0x1a: {  	s31 =	rddreg [dreg:$0x6];
	s1 =	sadd.s32 $0x1, s1  }
0x1b: {  	p0 =	sne.s32 s1, s31  }
.Ltmp1:
0x1c: {  	_ = 	snop;
	(pc) =	sbr.rel @!p0 .LBB2_5-.Ltmp1, $3  }
0x1d: {  	_ =	sdelay $0x1  }
0x1e: {  	[sflag:s30] =	ssyncset.done $0x0  }
0x1f: {  	s28 =	smov.u32 s29;
	[sflag:s30] =	ssyncadd.s32 $0xFFFF8000  }
.LBB2_1:
0x20: {  	[dreg:$0x8] =	wrdreg s1  }
0x21: {  	s0 =	rddreg [dreg:$0x4];
	s23 =	simm.s32 $0x7  }
0x22: {  	[tilespmem:s4], [sflag:$0x7] =	stream.linear.gather [hbm4b:s0+s4], $0x2000, $0x38;
	[tilespmem:$0x1A000] =	vst v63  }
0x23: {  	_ =	swait.ge [sflag:s23], $0x2000  }
0x24: {  	[sflag:s23] =	ssyncset.done $0x0  }
0x25: {  	[sflag:s23] =	ssyncadd.s32 $0xFFFFE000  }
0x26: {  	v2 =	vld.msk [tilespmem:$0x0], $0xf;
	_ =	sdelay $0x4  }
0x27: {  	v3 =	vshll.u32 v2, $0x6  }
0x28: {  	v2 =	vand.u32 $0x7, v2;
	v3 =	vand.u32 $0xFFFFFE00, v3  }
0x29: {  	v2 =	vor.u32 v2, v3  }
0x2a: {  	v2 =	vperm.xlane v2, v0;
	_ =	sdelay $0x1  }
0x2b: {  	v2 =	vadd.s32 v1, v2;
	_ =	sdelay $0x4  }
0x2c: {  	[tilespmem:s2], [sflag:$0x1] =	stream.indirect_vreg.gather [hbm4b:s28+s4], $0x80, v2, vm0, $0xb8;
	[tilespmem:$0x1A000] =	vst v63  }
0x2d: {  	s24 =	simm.s32 $0x2800  }
0x2e: {  	[tilespmem:s24], [sflag:$0x1] =	stream.indirect_vreg.gather [hbm4b:s6+s4], $0x80, v2, vm0, $0xb8;
	[tilespmem:$0x1A000] =	vst v63  }
0x2f: {  	s26 =	simm.s32 $0x3000  }
0x30: {  	[tilespmem:s26], [sflag:$0x1] =	stream.indirect_vreg.gather [hbm4b:s7+s4], $0x80, v2, vm0, $0xb8;
	[tilespmem:$0x1A000] =	vst v63  }
0x31: {  	s29 =	simm.s32 $0x3800  }
0x32: {  	[tilespmem:s29], [sflag:$0x1] =	stream.indirect_vreg.gather [hbm4b:s8+s4], $0x80, v2, vm0, $0xb8;
	[tilespmem:$0x1A000] =	vst v63  }
0x33: {  	s31 =	simm.s32 $0x4000  }
0x34: {  	[tilespmem:s31], [sflag:$0x1] =	stream.indirect_vreg.gather [hbm4b:s9+s4], $0x80, v2, vm0, $0xb8;
	[tilespmem:$0x1A000] =	vst v63  }
0x35: {  	s1 =	simm.s32 $0x4800  }
0x36: {  	[tilespmem:s1], [sflag:$0x1] =	stream.indirect_vreg.gather [hbm4b:s10+s4], $0x80, v2, vm0, $0xb8;
	[tilespmem:$0x1A000] =	vst v63  }
0x37: {  	s2 =	simm.s32 $0x5000  }
0x38: {  	[tilespmem:s2], [sflag:$0x1] =	stream.indirect_vreg.gather [hbm4b:s11+s4], $0x80, v2, vm0, $0xb8;
	[tilespmem:$0x1A000] =	vst v63  }
0x39: {  	s3 =	simm.s32 $0x5800  }
0x3a: {  	[tilespmem:s3], [sflag:$0x1] =	stream.indirect_vreg.gather [hbm4b:s12+s4], $0x80, v2, vm0, $0xb8;
	[tilespmem:$0x1A000] =	vst v63  }
0x3b: {  	s21 =	simm.s32 $0x6000  }
0x3c: {  	[tilespmem:s21], [sflag:$0x1] =	stream.indirect_vreg.gather [hbm4b:s13+s4], $0x80, v2, vm0, $0xb8;
	[tilespmem:$0x1A000] =	vst v63  }
0x3d: {  	s22 =	simm.s32 $0x6800  }
0x3e: {  	[tilespmem:s22], [sflag:$0x1] =	stream.indirect_vreg.gather [hbm4b:s14+s4], $0x80, v2, vm0, $0xb8;
	[tilespmem:$0x1A000] =	vst v63  }
0x3f: {  	s23 =	simm.s32 $0x7000  }
0x40: {  	[tilespmem:s23], [sflag:$0x1] =	stream.indirect_vreg.gather [hbm4b:s15+s4], $0x80, v2, vm0, $0xb8;
	[tilespmem:$0x1A000] =	vst v63  }
0x41: {  	s24 =	simm.s32 $0x7800  }
0x42: {  	[tilespmem:s24], [sflag:$0x1] =	stream.indirect_vreg.gather [hbm4b:s16+s4], $0x80, v2, vm0, $0xb8;
	[tilespmem:$0x1A000] =	vst v63  }
0x43: {  	s26 =	simm.s32 $0x8000  }
0x44: {  	[tilespmem:s26], [sflag:$0x1] =	stream.indirect_vreg.gather [hbm4b:s17+s4], $0x80, v2, vm0, $0xb8;
	[tilespmem:$0x1A000] =	vst v63  }
0x45: {  	s29 =	simm.s32 $0x8800  }
0x46: {  	[tilespmem:s29], [sflag:$0x1] =	stream.indirect_vreg.gather [hbm4b:s18+s4], $0x80, v2, vm0, $0xb8;
	[tilespmem:$0x1A000] =	vst v63  }
0x47: {  	s31 =	simm.s32 $0x9000  }
0x48: {  	[tilespmem:s31], [sflag:$0x1] =	stream.indirect_vreg.gather [hbm4b:s19+s4], $0x80, v2, vm0, $0xb8;
	[tilespmem:$0x1A000] =	vst v63  }
0x49: {  	s1 =	simm.s32 $0x9800  }
0x4a: {  	[tilespmem:s1], [sflag:$0x1] =	stream.indirect_vreg.gather [hbm4b:s20+s4], $0x80, v2, vm0, $0xb8;
	[tilespmem:$0x1A000] =	vst v63  }
0x4b: {  	v2 =	vld.msk [tilespmem:$0x80], $0xf;
	_ =	sdelay $0x4  }
0x4c: {  	v3 =	vshll.u32 v2, $0x6  }
0x4d: {  	v2 =	vand.u32 $0x7, v2;
	v3 =	vand.u32 $0xFFFFFE00, v3  }
0x4e: {  	v2 =	vor.u32 v2, v3  }
0x4f: {  	v2 =	vperm.xlane v2, v0;
	_ =	sdelay $0x1  }
0x50: {  	v2 =	vadd.s32 v1, v2;
	_ =	sdelay $0x3  }
0x51: {  	s2 =	simm.s32 $0xA000  }
0x52: {  	[tilespmem:s2], [sflag:$0x2] =	stream.indirect_vreg.gather [hbm4b:s28+s4], $0x80, v2, vm0, $0xb8;
	[tilespmem:$0x1A000] =	vst v63  }
0x53: {  	s3 =	simm.s32 $0xA800  }
0x54: {  	[tilespmem:s3], [sflag:$0x2] =	stream.indirect_vreg.gather [hbm4b:s6+s4], $0x80, v2, vm0, $0xb8;
	[tilespmem:$0x1A000] =	vst v63  }
0x55: {  	s21 =	simm.s32 $0xB000  }
0x56: {  	[tilespmem:s21], [sflag:$0x2] =	stream.indirect_vreg.gather [hbm4b:s7+s4], $0x80, v2, vm0, $0xb8;
	[tilespmem:$0x1A000] =	vst v63  }
0x57: {  	s22 =	simm.s32 $0xB800  }
0x58: {  	[tilespmem:s22], [sflag:$0x2] =	stream.indirect_vreg.gather [hbm4b:s8+s4], $0x80, v2, vm0, $0xb8;
	[tilespmem:$0x1A000] =	vst v63  }
0x59: {  	s23 =	simm.s32 $0xC000  }
0x5a: {  	[tilespmem:s23], [sflag:$0x2] =	stream.indirect_vreg.gather [hbm4b:s9+s4], $0x80, v2, vm0, $0xb8;
	[tilespmem:$0x1A000] =	vst v63  }
0x5b: {  	s24 =	simm.s32 $0xC800  }
0x5c: {  	[tilespmem:s24], [sflag:$0x2] =	stream.indirect_vreg.gather [hbm4b:s10+s4], $0x80, v2, vm0, $0xb8;
	[tilespmem:$0x1A000] =	vst v63  }
0x5d: {  	s26 =	simm.s32 $0xD000  }
0x5e: {  	[tilespmem:s26], [sflag:$0x2] =	stream.indirect_vreg.gather [hbm4b:s11+s4], $0x80, v2, vm0, $0xb8;
	[tilespmem:$0x1A000] =	vst v63  }
0x5f: {  	s29 =	simm.s32 $0xD800  }
0x60: {  	[tilespmem:s29], [sflag:$0x2] =	stream.indirect_vreg.gather [hbm4b:s12+s4], $0x80, v2, vm0, $0xb8;
	[tilespmem:$0x1A000] =	vst v63  }
0x61: {  	s31 =	simm.s32 $0xE000  }
0x62: {  	[tilespmem:s31], [sflag:$0x2] =	stream.indirect_vreg.gather [hbm4b:s13+s4], $0x80, v2, vm0, $0xb8;
	[tilespmem:$0x1A000] =	vst v63  }
0x63: {  	s1 =	simm.s32 $0xE800  }
0x64: {  	[tilespmem:s1], [sflag:$0x2] =	stream.indirect_vreg.gather [hbm4b:s14+s4], $0x80, v2, vm0, $0xb8;
	[tilespmem:$0x1A000] =	vst v63  }
0x65: {  	s2 =	simm.s32 $0xF000  }
0x66: {  	[tilespmem:s2], [sflag:$0x2] =	stream.indirect_vreg.gather [hbm4b:s15+s4], $0x80, v2, vm0, $0xb8;
	[tilespmem:$0x1A000] =	vst v63  }
0x67: {  	s3 =	simm.s32 $0xF800  }
0x68: {  	[tilespmem:s3], [sflag:$0x2] =	stream.indirect_vreg.gather [hbm4b:s16+s4], $0x80, v2, vm0, $0xb8;
	[tilespmem:$0x1A000] =	vst v63  }
0x69: {  	s21 =	simm.s32 $0x10000  }
0x6a: {  	[tilespmem:s21], [sflag:$0x2] =	stream.indirect_vreg.gather [hbm4b:s17+s4], $0x80, v2, vm0, $0xb8;
	[tilespmem:$0x1A000] =	vst v63  }
0x6b: {  	s22 =	simm.s32 $0x10800  }
0x6c: {  	[tilespmem:s22], [sflag:$0x2] =	stream.indirect_vreg.gather [hbm4b:s18+s4], $0x80, v2, vm0, $0xb8;
	[tilespmem:$0x1A000] =	vst v63  }
0x6d: {  	s23 =	simm.s32 $0x11000  }
0x6e: {  	[tilespmem:s23], [sflag:$0x2] =	stream.indirect_vreg.gather [hbm4b:s19+s4], $0x80, v2, vm0, $0xb8;
	[tilespmem:$0x1A000] =	vst v63  }
0x6f: {  	s24 =	simm.s32 $0x11800  }
0x70: {  	[tilespmem:s24], [sflag:$0x2] =	stream.indirect_vreg.gather [hbm4b:s20+s4], $0x80, v2, vm0, $0xb8;
	[tilespmem:$0x1A000] =	vst v63  }
0x71: {  	v2 =	vld.msk [tilespmem:$0x100], $0xf;
	_ =	sdelay $0x4  }
0x72: {  	v3 =	vshll.u32 v2, $0x6  }
0x73: {  	v2 =	vand.u32 $0x7, v2;
	v3 =	vand.u32 $0xFFFFFE00, v3  }
0x74: {  	v2 =	vor.u32 v2, v3  }
0x75: {  	v2 =	vperm.xlane v2, v0;
	_ =	sdelay $0x1  }
0x76: {  	v2 =	vadd.s32 v1, v2;
	_ =	sdelay $0x4  }
0x77: {  	[tilespmem:s25], [sflag:$0x3] =	stream.indirect_vreg.gather [hbm4b:s28+s4], $0x80, v2, vm0, $0xb8;
	[tilespmem:$0x1A000] =	vst v63  }
0x78: {  	s25 =	simm.s32 $0x12800  }
0x79: {  	[tilespmem:s25], [sflag:$0x3] =	stream.indirect_vreg.gather [hbm4b:s6+s4], $0x80, v2, vm0, $0xb8;
	[tilespmem:$0x1A000] =	vst v63  }
0x7a: {  	s26 =	simm.s32 $0x13000  }
0x7b: {  	[tilespmem:s26], [sflag:$0x3] =	stream.indirect_vreg.gather [hbm4b:s7+s4], $0x80, v2, vm0, $0xb8;
	[tilespmem:$0x1A000] =	vst v63  }
0x7c: {  	s29 =	simm.s32 $0x13800  }
0x7d: {  	[tilespmem:s29], [sflag:$0x3] =	stream.indirect_vreg.gather [hbm4b:s8+s4], $0x80, v2, vm0, $0xb8;
	[tilespmem:$0x1A000] =	vst v63  }
0x7e: {  	s31 =	simm.s32 $0x14000  }
0x7f: {  	[tilespmem:s31], [sflag:$0x3] =	stream.indirect_vreg.gather [hbm4b:s9+s4], $0x80, v2, vm0, $0xb8;
	[tilespmem:$0x1A000] =	vst v63  }
0x80: {  	s1 =	simm.s32 $0x14800  }
0x81: {  	[tilespmem:s1], [sflag:$0x3] =	stream.indirect_vreg.gather [hbm4b:s10+s4], $0x80, v2, vm0, $0xb8;
	[tilespmem:$0x1A000] =	vst v63  }
0x82: {  	s2 =	simm.s32 $0x15000  }
0x83: {  	[tilespmem:s2], [sflag:$0x3] =	stream.indirect_vreg.gather [hbm4b:s11+s4], $0x80, v2, vm0, $0xb8;
	[tilespmem:$0x1A000] =	vst v63  }
0x84: {  	s3 =	simm.s32 $0x15800  }
0x85: {  	[tilespmem:s3], [sflag:$0x3] =	stream.indirect_vreg.gather [hbm4b:s12+s4], $0x80, v2, vm0, $0xb8;
	[tilespmem:$0x1A000] =	vst v63  }
0x86: {  	s21 =	simm.s32 $0x16000  }
0x87: {  	[tilespmem:s21], [sflag:$0x3] =	stream.indirect_vreg.gather [hbm4b:s13+s4], $0x80, v2, vm0, $0xb8;
	[tilespmem:$0x1A000] =	vst v63  }
0x88: {  	s22 =	simm.s32 $0x16800  }
0x89: {  	[tilespmem:s22], [sflag:$0x3] =	stream.indirect_vreg.gather [hbm4b:s14+s4], $0x80, v2, vm0, $0xb8;
	[tilespmem:$0x1A000] =	vst v63  }
0x8a: {  	s23 =	simm.s32 $0x17000  }
0x8b: {  	[tilespmem:s23], [sflag:$0x3] =	stream.indirect_vreg.gather [hbm4b:s15+s4], $0x80, v2, vm0, $0xb8;
	[tilespmem:$0x1A000] =	vst v63  }
0x8c: {  	s24 =	simm.s32 $0x17800  }
0x8d: {  	[tilespmem:s24], [sflag:$0x3] =	stream.indirect_vreg.gather [hbm4b:s16+s4], $0x80, v2, vm0, $0xb8;
	[tilespmem:$0x1A000] =	vst v63  }
0x8e: {  	s25 =	simm.s32 $0x18000  }
0x8f: {  	[tilespmem:s25], [sflag:$0x3] =	stream.indirect_vreg.gather [hbm4b:s17+s4], $0x80, v2, vm0, $0xb8;
	[tilespmem:$0x1A000] =	vst v63  }
0x90: {  	s26 =	simm.s32 $0x18800;
	s29 =	simm.s32 $0x19000  }
0x91: {  	[tilespmem:s26], [sflag:$0x3] =	stream.indirect_vreg.gather [hbm4b:s18+s4], $0x80, v2, vm0, $0xb8;
	[tilespmem:$0x1A000] =	vst v63  }
0x92: {  	s31 =	simm.s32 $0x19800;
	s1 =	simm.s32 $0x12000;
	s3 =	simm.s32 $0x0  }
0x93: {  	[tilespmem:s29], [sflag:$0x3] =	stream.indirect_vreg.gather [hbm4b:s19+s4], $0x80, v2, vm0, $0xb8;
	[tilespmem:$0x1A000] =	vst v63  }
0x94: {  	s22 =	simm.s32 $0x40;
	s23 =	simm.s32 $0x0;
	s24 =	simm.s32 $0x280  }
0x95: {  	[tilespmem:s31], [sflag:$0x3] =	stream.indirect_vreg.gather [hbm4b:s20+s4], $0x80, v2, vm0, $0xb8;
	[tilespmem:$0x1A000] =	vst v63  }
.LBB2_2:
0x96: {  	s26 =	simm.s32 $0x1  }
0x97: {  	_ =	swait.ge [sflag:s26], $0x8000  }
0x98: {  	s0 =	rddreg [dreg:$0x7];
	[sflag:s26] =	ssyncset.done $0x0  }
0x99: {  	s21 =	sand.u32 $0x40, s23;
	s25 =	sadd.s32 s3, s0;
	s31 =	rddreg [dreg:$0x2]  }
0x9a: {  	s29 =	simm.s32 $0x2000;
	s2 =	sand.u32 $0xFFFE000, s25;
	s0 =	sadd.s32 s31, s21  }
0x9b: {  	[sflag:s26] =	ssyncadd.s32 $0xFFFF8000;
	s26 =	simm.s32 $0x200;
	s2 =	sadd.s32 s2, s0  }
0x9c: {  	[hbm4b:s2+s26] =	stream.strided.scatter [tilespmem:s29], [sflag:$0x4], $0x8000, s5, s26, $0x38;
	[tilespmem:$0x1A000] =	vst v63  }
0x9d: {  	_ =	swait.ge [sflag:s30], $0x8000  }
0x9e: {  	[sflag:s30] =	ssyncset.done $0x0  }
0x9f: {  	[sflag:s30] =	ssyncadd.s32 $0xFFFF8000  }
0xa0: {  	v2 =	vld.msk [tilespmem:s24+$0xFFFFFF00], $0xf;
	_ =	sdelay $0x4  }
0xa1: {  	v3 =	vshll.u32 v2, $0x6  }
0xa2: {  	v2 =	vand.u32 $0x7, v2;
	v3 =	vand.u32 $0xFFFFFE00, v3  }
0xa3: {  	v2 =	vor.u32 v2, v3  }
0xa4: {  	v2 =	vperm.xlane v2, v0;
	_ =	sdelay $0x1  }
0xa5: {  	v2 =	vadd.s32 v1, v2;
	_ =	sdelay $0x4  }
0xa6: {  	[tilespmem:s29], [sflag:$0x1] =	stream.indirect_vreg.gather [hbm4b:s28+s4], $0x80, v2, vm0, $0xb8;
	[tilespmem:$0x1A000] =	vst v63  }
0xa7: {  	s21 =	simm.s32 $0x2800  }
0xa8: {  	[tilespmem:s21], [sflag:$0x1] =	stream.indirect_vreg.gather [hbm4b:s6+s4], $0x80, v2, vm0, $0xb8;
	[tilespmem:$0x1A000] =	vst v63  }
0xa9: {  	s21 =	simm.s32 $0x3000  }
0xaa: {  	[tilespmem:s21], [sflag:$0x1] =	stream.indirect_vreg.gather [hbm4b:s7+s4], $0x80, v2, vm0, $0xb8;
	[tilespmem:$0x1A000] =	vst v63  }
0xab: {  	s21 =	simm.s32 $0x3800  }
0xac: {  	[tilespmem:s21], [sflag:$0x1] =	stream.indirect_vreg.gather [hbm4b:s8+s4], $0x80, v2, vm0, $0xb8;
	[tilespmem:$0x1A000] =	vst v63  }
0xad: {  	s21 =	simm.s32 $0x4000  }
0xae: {  	[tilespmem:s21], [sflag:$0x1] =	stream.indirect_vreg.gather [hbm4b:s9+s4], $0x80, v2, vm0, $0xb8;
	[tilespmem:$0x1A000] =	vst v63  }
0xaf: {  	s21 =	simm.s32 $0x4800  }
0xb0: {  	[tilespmem:s21], [sflag:$0x1] =	stream.indirect_vreg.gather [hbm4b:s10+s4], $0x80, v2, vm0, $0xb8;
	[tilespmem:$0x1A000] =	vst v63  }
0xb1: {  	s21 =	simm.s32 $0x5000  }
0xb2: {  	[tilespmem:s21], [sflag:$0x1] =	stream.indirect_vreg.gather [hbm4b:s11+s4], $0x80, v2, vm0, $0xb8;
	[tilespmem:$0x1A000] =	vst v63  }
0xb3: {  	s21 =	simm.s32 $0x5800  }
0xb4: {  	[tilespmem:s21], [sflag:$0x1] =	stream.indirect_vreg.gather [hbm4b:s12+s4], $0x80, v2, vm0, $0xb8;
	[tilespmem:$0x1A000] =	vst v63  }
0xb5: {  	s21 =	simm.s32 $0x6000  }
0xb6: {  	[tilespmem:s21], [sflag:$0x1] =	stream.indirect_vreg.gather [hbm4b:s13+s4], $0x80, v2, vm0, $0xb8;
	[tilespmem:$0x1A000] =	vst v63  }
0xb7: {  	s21 =	simm.s32 $0x6800  }
0xb8: {  	[tilespmem:s21], [sflag:$0x1] =	stream.indirect_vreg.gather [hbm4b:s14+s4], $0x80, v2, vm0, $0xb8;
	[tilespmem:$0x1A000] =	vst v63  }
0xb9: {  	s21 =	simm.s32 $0x7000  }
0xba: {  	[tilespmem:s21], [sflag:$0x1] =	stream.indirect_vreg.gather [hbm4b:s15+s4], $0x80, v2, vm0, $0xb8;
	[tilespmem:$0x1A000] =	vst v63  }
0xbb: {  	s21 =	simm.s32 $0x7800  }
0xbc: {  	[tilespmem:s21], [sflag:$0x1] =	stream.indirect_vreg.gather [hbm4b:s16+s4], $0x80, v2, vm0, $0xb8;
	[tilespmem:$0x1A000] =	vst v63  }
0xbd: {  	s21 =	simm.s32 $0x8000  }
0xbe: {  	[tilespmem:s21], [sflag:$0x1] =	stream.indirect_vreg.gather [hbm4b:s17+s4], $0x80, v2, vm0, $0xb8;
	[tilespmem:$0x1A000] =	vst v63  }
0xbf: {  	s21 =	simm.s32 $0x8800  }
0xc0: {  	[tilespmem:s21], [sflag:$0x1] =	stream.indirect_vreg.gather [hbm4b:s18+s4], $0x80, v2, vm0, $0xb8;
	[tilespmem:$0x1A000] =	vst v63  }
0xc1: {  	s21 =	simm.s32 $0x9000  }
0xc2: {  	[tilespmem:s21], [sflag:$0x1] =	stream.indirect_vreg.gather [hbm4b:s19+s4], $0x80, v2, vm0, $0xb8;
	[tilespmem:$0x1A000] =	vst v63  }
0xc3: {  	s2 =	sadd.s32 $0x1000, s25;
	s21 =	simm.s32 $0x9800  }
0xc4: {  	[tilespmem:s21], [sflag:$0x1] =	stream.indirect_vreg.gather [hbm4b:s20+s4], $0x80, v2, vm0, $0xb8;
	[tilespmem:$0x1A000] =	vst v63  }
0xc5: {  	s29 =	smov.u32 s28;
	s28 =	sand.u32 $0x40, s22;
	s21 =	simm.s32 $0x2  }
0xc6: {  	s2 =	sand.u32 $0xFFFE000, s2;
	s28 =	sadd.s32 s31, s28;
	_ =	swait.ge [sflag:s21], $0x8000  }
0xc7: {  	s2 =	sadd.s32 s2, s28;
	[sflag:s21] =	ssyncset.done $0x0  }
0xc8: {  	s28 =	simm.s32 $0xA000;
	[sflag:s21] =	ssyncadd.s32 $0xFFFF8000;
	s21 =	simm.s32 $0x5  }
0xc9: {  	[hbm4b:s2+s26] =	stream.strided.scatter [tilespmem:s28], [sflag:$0x5], $0x8000, s5, s26, $0x38;
	[tilespmem:$0x1A000] =	vst v63  }
0xca: {  	_ =	swait.ge [sflag:s21], $0x8000  }
0xcb: {  	[sflag:s21] =	ssyncset.done $0x0  }
0xcc: {  	p0 =	seq.s32 s3, $0x3C000;
	[sflag:s21] =	ssyncadd.s32 $0xFFFF8000  }
0xcd: {  	v2 =	vld.msk @!p0 [tilespmem:s24+$0xFFFFFF80], $0xf;
	_ =	sdelay $0x4  }
0xce: {  	v3 =	vshll.u32 @!p0 v2, $0x6  }
0xcf: {  	v4 =	vlaneseq.u32 @!p0;
	v2 =	vand.u32 @!p0 $0x7, v2;
	v3 =	vand.u32 @!p0 $0xFFFFFE00, v3  }
0xd0: {  	v2 =	vor.u32 @!p0 v2, v3;
	v3 =	vand.u32 @!p0 $0x3, v4;
	v4 =	vshrl.u32 @!p0 v4, $0x2  }
0xd1: {  	v2 =	vperm.xlane @!p0 v2, v3;
	v3 =	vmul.u32 @!p0 $0x8, v4;
	_ =	sdelay $0x1  }
0xd2: {  	v2 =	vadd.s32 @!p0 v3, v2;
	_ =	sdelay $0x3  }
0xd3: {  	vm1 =	vmmov @!p0 $0xffff;
	s2 =	simm.s32 @!p0 $0x0;
	s28 =	simm.s32 @!p0 $0xA000  }
0xd4: {  	[tilespmem:s28], [sflag:$0x2] =	stream.indirect_vreg.gather @!p0 [hbm4b:s29+s2], $0x80, v2, vm1, $0xb8;
	[tilespmem:$0x1A000] =	vst v63  }
0xd5: {  	s28 =	simm.s32 @!p0 $0xA800  }
0xd6: {  	[tilespmem:s28], [sflag:$0x2] =	stream.indirect_vreg.gather @!p0 [hbm4b:s6+s2], $0x80, v2, vm1, $0xb8;
	[tilespmem:$0x1A000] =	vst v63  }
0xd7: {  	s28 =	simm.s32 @!p0 $0xB000  }
0xd8: {  	[tilespmem:s28], [sflag:$0x2] =	stream.indirect_vreg.gather @!p0 [hbm4b:s7+s2], $0x80, v2, vm1, $0xb8;
	[tilespmem:$0x1A000] =	vst v63  }
0xd9: {  	s28 =	simm.s32 @!p0 $0xB800  }
0xda: {  	[tilespmem:s28], [sflag:$0x2] =	stream.indirect_vreg.gather @!p0 [hbm4b:s8+s2], $0x80, v2, vm1, $0xb8;
	[tilespmem:$0x1A000] =	vst v63  }
0xdb: {  	s28 =	simm.s32 @!p0 $0xC000  }
0xdc: {  	[tilespmem:s28], [sflag:$0x2] =	stream.indirect_vreg.gather @!p0 [hbm4b:s9+s2], $0x80, v2, vm1, $0xb8;
	[tilespmem:$0x1A000] =	vst v63  }
0xdd: {  	s28 =	simm.s32 @!p0 $0xC800  }
0xde: {  	[tilespmem:s28], [sflag:$0x2] =	stream.indirect_vreg.gather @!p0 [hbm4b:s10+s2], $0x80, v2, vm1, $0xb8;
	[tilespmem:$0x1A000] =	vst v63  }
0xdf: {  	s28 =	simm.s32 @!p0 $0xD000  }
0xe0: {  	[tilespmem:s28], [sflag:$0x2] =	stream.indirect_vreg.gather @!p0 [hbm4b:s11+s2], $0x80, v2, vm1, $0xb8;
	[tilespmem:$0x1A000] =	vst v63  }
0xe1: {  	s28 =	simm.s32 @!p0 $0xD800  }
0xe2: {  	[tilespmem:s28], [sflag:$0x2] =	stream.indirect_vreg.gather @!p0 [hbm4b:s12+s2], $0x80, v2, vm1, $0xb8;
	[tilespmem:$0x1A000] =	vst v63  }
0xe3: {  	s28 =	simm.s32 @!p0 $0xE000  }
0xe4: {  	[tilespmem:s28], [sflag:$0x2] =	stream.indirect_vreg.gather @!p0 [hbm4b:s13+s2], $0x80, v2, vm1, $0xb8;
	[tilespmem:$0x1A000] =	vst v63  }
0xe5: {  	s28 =	simm.s32 @!p0 $0xE800  }
0xe6: {  	[tilespmem:s28], [sflag:$0x2] =	stream.indirect_vreg.gather @!p0 [hbm4b:s14+s2], $0x80, v2, vm1, $0xb8;
	[tilespmem:$0x1A000] =	vst v63  }
0xe7: {  	s28 =	simm.s32 @!p0 $0xF000  }
0xe8: {  	[tilespmem:s28], [sflag:$0x2] =	stream.indirect_vreg.gather @!p0 [hbm4b:s15+s2], $0x80, v2, vm1, $0xb8;
	[tilespmem:$0x1A000] =	vst v63  }
0xe9: {  	s28 =	simm.s32 @!p0 $0xF800  }
0xea: {  	[tilespmem:s28], [sflag:$0x2] =	stream.indirect_vreg.gather @!p0 [hbm4b:s16+s2], $0x80, v2, vm1, $0xb8;
	[tilespmem:$0x1A000] =	vst v63  }
0xeb: {  	s28 =	simm.s32 @!p0 $0x10000  }
0xec: {  	[tilespmem:s28], [sflag:$0x2] =	stream.indirect_vreg.gather @!p0 [hbm4b:s17+s2], $0x80, v2, vm1, $0xb8;
	[tilespmem:$0x1A000] =	vst v63  }
0xed: {  	s28 =	simm.s32 @!p0 $0x10800  }
0xee: {  	[tilespmem:s28], [sflag:$0x2] =	stream.indirect_vreg.gather @!p0 [hbm4b:s18+s2], $0x80, v2, vm1, $0xb8;
	[tilespmem:$0x1A000] =	vst v63  }
0xef: {  	s28 =	simm.s32 @!p0 $0x11000  }
0xf0: {  	[tilespmem:s28], [sflag:$0x2] =	stream.indirect_vreg.gather @!p0 [hbm4b:s19+s2], $0x80, v2, vm1, $0xb8;
	[tilespmem:$0x1A000] =	vst v63  }
0xf1: {  	s21 =	simm.s32 $0x3;
	s28 =	simm.s32 @!p0 $0x11800  }
0xf2: {  	[tilespmem:s28], [sflag:$0x2] =	stream.indirect_vreg.gather @!p0 [hbm4b:s20+s2], $0x80, v2, vm1, $0xb8;
	[tilespmem:$0x1A000] =	vst v63  }
0xf3: {  	s25 =	sadd.s32 $0x2000, s25;
	_ =	swait.ge [sflag:s21], $0x8000  }
0xf4: {  	s2 =	sand.u32 $0xFFFE000, s25;
	[sflag:s21] =	ssyncset.done $0x0  }
0xf5: {  	s0 =	sadd.s32 s2, s0;
	[sflag:s21] =	ssyncadd.s32 $0xFFFF8000  }
0xf6: {  	[hbm4b:s0+s26] =	stream.strided.scatter [tilespmem:s1], [sflag:$0x6], $0x8000, s5, s26, $0x38;
	[tilespmem:$0x1A000] =	vst v63  }
.Ltmp2:
0xf7: {  	_ = 	snop;
	(pc) =	sbr.rel @p0 .LBB2_4-.Ltmp2, $4  }
0xf8: {  	s26 =	simm.s32 $0x6  }
0xf9: {  	_ =	swait.ge [sflag:s26], $0x8000  }
0xfa: {  	s31 =	simm.s32 $0x400;
	[sflag:s26] =	ssyncset.done $0x0  }
0xfb: {  	s28 =	simm.s32 $0x200;
	s25 =	simm.s32 $0x12000;
	[sflag:s26] =	ssyncadd.s32 $0xFFFF8000  }
0xfc: {  	v2 =	vld.msk [tilespmem:s24+$0x0], $0xf;
	_ =	sdelay $0x4  }
0xfd: {  	v3 =	vshll.u32 v2, $0x6  }
0xfe: {  	v2 =	vand.u32 $0x7, v2;
	v3 =	vand.u32 $0xFFFFFE00, v3  }
0xff: {  	v2 =	vor.u32 v2, v3  }
0x100: {  	v2 =	vperm.xlane v2, v0;
	_ =	sdelay $0x1  }
0x101: {  	v2 =	vadd.s32 v1, v2;
	_ =	sdelay $0x4  }
0x102: {  	[tilespmem:s25], [sflag:$0x3] =	stream.indirect_vreg.gather [hbm4b:s29+s4], $0x80, v2, vm0, $0xb8;
	[tilespmem:$0x1A000] =	vst v63  }
0x103: {  	s0 =	simm.s32 $0x12800  }
0x104: {  	[tilespmem:s0], [sflag:$0x3] =	stream.indirect_vreg.gather [hbm4b:s6+s4], $0x80, v2, vm0, $0xb8;
	[tilespmem:$0x1A000] =	vst v63  }
0x105: {  	s26 =	simm.s32 $0x13000  }
0x106: {  	[tilespmem:s26], [sflag:$0x3] =	stream.indirect_vreg.gather [hbm4b:s7+s4], $0x80, v2, vm0, $0xb8;
	[tilespmem:$0x1A000] =	vst v63  }
0x107: {  	s31 =	simm.s32 $0x13800  }
0x108: {  	[tilespmem:s31], [sflag:$0x3] =	stream.indirect_vreg.gather [hbm4b:s8+s4], $0x80, v2, vm0, $0xb8;
	[tilespmem:$0x1A000] =	vst v63  }
0x109: {  	s1 =	simm.s32 $0x14000  }
0x10a: {  	[tilespmem:s1], [sflag:$0x3] =	stream.indirect_vreg.gather [hbm4b:s9+s4], $0x80, v2, vm0, $0xb8;
	[tilespmem:$0x1A000] =	vst v63  }
0x10b: {  	s2 =	simm.s32 $0x14800  }
0x10c: {  	[tilespmem:s2], [sflag:$0x3] =	stream.indirect_vreg.gather [hbm4b:s10+s4], $0x80, v2, vm0, $0xb8;
	[tilespmem:$0x1A000] =	vst v63  }
0x10d: {  	s21 =	simm.s32 $0x15000  }
0x10e: {  	[tilespmem:s21], [sflag:$0x3] =	stream.indirect_vreg.gather [hbm4b:s11+s4], $0x80, v2, vm0, $0xb8;
	[tilespmem:$0x1A000] =	vst v63  }
0x10f: {  	s25 =	simm.s32 $0x15800  }
0x110: {  	[tilespmem:s25], [sflag:$0x3] =	stream.indirect_vreg.gather [hbm4b:s12+s4], $0x80, v2, vm0, $0xb8;
	[tilespmem:$0x1A000] =	vst v63  }
0x111: {  	s26 =	simm.s32 $0x16000  }
0x112: {  	[tilespmem:s26], [sflag:$0x3] =	stream.indirect_vreg.gather [hbm4b:s13+s4], $0x80, v2, vm0, $0xb8;
	[tilespmem:$0x1A000] =	vst v63  }
0x113: {  	s31 =	simm.s32 $0x16800  }
0x114: {  	[tilespmem:s31], [sflag:$0x3] =	stream.indirect_vreg.gather [hbm4b:s14+s4], $0x80, v2, vm0, $0xb8;
	[tilespmem:$0x1A000] =	vst v63  }
0x115: {  	s1 =	simm.s32 $0x17000  }
0x116: {  	[tilespmem:s1], [sflag:$0x3] =	stream.indirect_vreg.gather [hbm4b:s15+s4], $0x80, v2, vm0, $0xb8;
	[tilespmem:$0x1A000] =	vst v63  }
0x117: {  	s2 =	simm.s32 $0x17800  }
0x118: {  	[tilespmem:s2], [sflag:$0x3] =	stream.indirect_vreg.gather [hbm4b:s16+s4], $0x80, v2, vm0, $0xb8;
	[tilespmem:$0x1A000] =	vst v63  }
0x119: {  	s21 =	simm.s32 $0x18000  }
0x11a: {  	[tilespmem:s21], [sflag:$0x3] =	stream.indirect_vreg.gather [hbm4b:s17+s4], $0x80, v2, vm0, $0xb8;
	[tilespmem:$0x1A000] =	vst v63  }
0x11b: {  	s25 =	simm.s32 $0x18800  }
0x11c: {  	[tilespmem:s25], [sflag:$0x3] =	stream.indirect_vreg.gather [hbm4b:s18+s4], $0x80, v2, vm0, $0xb8;
	[tilespmem:$0x1A000] =	vst v63  }
.Ltmp3:
0x11d: {  	s23 =	sadd.s32 $0x40, s23;
	s3 =	sadd.s32 $0x3000, s3;
	(pc) =	sbr.rel .LBB2_2-.Ltmp3, $4  }
0x11e: {  	s22 =	sadd.s32 $0xC0, s22;
	s24 =	sadd.s32 $0x180, s24;
	s26 =	simm.s32 $0x19000  }
0x11f: {  	[tilespmem:s26], [sflag:$0x3] =	stream.indirect_vreg.gather [hbm4b:s19+s4], $0x80, v2, vm0, $0xb8;
	[tilespmem:$0x1A000] =	vst v63  }
0x120: {  	s28 =	smov.u32 s29;
	s31 =	simm.s32 $0x19800;
	s1 =	simm.s32 $0x12000  }
0x121: {  	[tilespmem:s31], [sflag:$0x3] =	stream.indirect_vreg.gather [hbm4b:s20+s4], $0x80, v2, vm0, $0xb8;
	[tilespmem:$0x1A000] =	vst v63  }
.LBB2_5:
0x122: {  	_ =	sfence.sel $0x180000  }
0x123: {  	[bflag:$0x0] =	sbarrier.arrive $0xFFFF  }
0x124: {  	_ =	strace $0x90000047  }
0x125: {  	s0 =	stileid.u32;
	[bflag:$0x2] =	sbarrier.arrive $0xFFFF  }
0x126: {  	p0 =	sne.s32 s0, $0x0;
	s0 =	rddreg [dreg:$0x3]  }
0x127: {  	s0 =	sadd.s32 @!p0 $0x100000, s0  }
0x128: {  	[sflag:s0] =	ssyncadd.tile.s32 @!p0 $0x1;
	_ =	shalt  }
.Lfunc_end2:
_tile_overlayer_lowered:
.L_overlay_start_2:
0x129: {  	(tag) =	ssettag $0x2  }
0x12a: {  	s0 =	rddreg [dreg:$0x0];
	s2 =	stileid.u32  }
0x12b: {  	s1 =	rddreg [dreg:$0x1];
	p0 =	sne.s32 s2, $0x0  }
0x12c: {  	s3 =	rddreg [dreg:$0x2];
	[bflag:$0x3] =	sbarrier.arrive $0xFFFF;
	s2 =	simm.s32 @!p0 $0x1C07  }
0x12d: {  	[timem:s3], [sflag:s2] =	dma.local @!p0 [hbm:s0], s1  }
0x12e: {  	s0 =	simm.s32 @!p0 $0x7  }
0x12f: {  	_ =	swait.ge @!p0 [sflag:s0], s1  }
0x130: {  	s1 =	ssub.s32 @!p0 $0x0, s1;
	[sflag:s0] =	ssyncset.done @!p0 $0x0  }
0x131: {  	[sflag:s0] =	ssyncadd.s32 @!p0 s1  }
0x132: {  	[bflag:$0x3] =	sbarrier.arrive $0xFFFF  }
0x133: {  	_ =	shalt  }

</sc_bundles>
